<compile_context>
chip_gen: v7x
topology: tpu7x:2x2x1
jax: 0.10.2.dev20260603
libtpu: 0.0.44.dev20260713+nightly
codegen_flags: <defaults>
</compile_context>

<pallas_src>
import functools
import jax
import jax.numpy as jnp
from jax import lax
from jax.experimental import pallas as pl
from jax.experimental.pallas import tpu as pltpu
from jax.experimental.pallas import tpu_sc as plsc

_K = 100000
_B = 16384
_D = 64
_NW = 32
_CH = 512
_NMS = (_K - _B) // (_NW * _CH)
_REM_BASE = _B + _NMS * _NW * _CH
_REM = _K - _REM_BASE
_NSLOT = 3

_mesh = plsc.VectorSubcoreMesh(core_axis_name="c", subcore_axis_name="s")


@functools.partial(
    pl.kernel,
    mesh=_mesh,
    out_type=jax.ShapeDtypeStruct((_D, _K), jnp.float32),
    scratch_types=[
        pltpu.VMEM((_D, _CH), jnp.float32),
        pltpu.VMEM((_D, _CH), jnp.float32),
        pltpu.VMEM((_D, _CH), jnp.float32),
        pltpu.SemaphoreType.DMA,
        pltpu.SemaphoreType.DMA,
        pltpu.SemaphoreType.DMA,
        pltpu.SemaphoreType.DMA,
        pltpu.SemaphoreType.DMA,
        pltpu.SemaphoreType.DMA,
    ],
)
def _sc_push(mem_hbm, val_hbm, out_hbm, b0, b1, b2, r0, r1, r2, w0, w1, w2):
    bufs = [b0, b1, b2]
    rsem = [r0, r1, r2]
    wsem = [w0, w1, w2]
    w = lax.axis_index("s") * 2 + lax.axis_index("c")

    def cslice(ref, base):
        return ref.at[:, pl.ds(pl.multiple_of(base, 128), _CH)]

    chunks = [(val_hbm, w * _CH)]
    for g in range(_NMS):
        chunks.append((mem_hbm, _B + (g * _NW + w) * _CH))
    cn = len(chunks)

    rcp, wcp = {}, {}

    def start_write(j):
        rcp[j].wait()
        s = j % _NSLOT
        wcp[j] = pltpu.async_copy(bufs[s], cslice(out_hbm, chunks[j][1]), wsem[s])

    for i in range(cn):
        s = i % _NSLOT
        if i - _NSLOT >= 0:
            wcp[i - _NSLOT].wait()
        src, base = chunks[i]
        rcp[i] = pltpu.async_copy(cslice(src, base), bufs[s], rsem[s])
        if i - (_NSLOT - 1) >= 0:
            start_write(i - (_NSLOT - 1))
    for j in range(max(0, cn - (_NSLOT - 1)), cn):
        start_write(j)
    for j in range(max(0, cn - _NSLOT), cn):
        wcp[j].wait()

    @pl.when(w < _REM // 128)
    def _():
        base = pl.multiple_of(_REM_BASE + w * 128, 128)
        pltpu.async_copy(
            mem_hbm.at[:, pl.ds(base, 128)], b0.at[:, pl.ds(0, 128)], r0
        ).wait()
        pltpu.async_copy(
            b0.at[:, pl.ds(0, 128)], out_hbm.at[:, pl.ds(base, 128)], w0
        ).wait()


def kernel(mem, value):
    out = _sc_push(mem.T, value.T).T
    tail = jax.lax.slice(mem, (_K - 32, 0), (_K, _D))
    return jax.lax.dynamic_update_slice(out, tail, (_K - 32, 0))

# --- scband reference (transcript-rebuilt; emitter-appended) ---
"""Pipeline reference for scband-memory-bank-54589034332568 (READ-ONLY COPY).

The authoritative reference and input builder live on the scoring server;
editing this copy changes nothing except your own understanding.
"""

import jax, jax.numpy as jnp
import numpy as np

K_BANK = 100000
DIM = 64
BATCH = 16384

def setup_inputs(seed: int = 0) -> dict:
    key = jax.random.key(seed)
    k1, k2 = jax.random.split(key)
    # The registered buffer: MemoryBank.register(name, dim=64, k=100000) -> torch.rand(k, dim)
    mem = jax.random.uniform(k1, (K_BANK, DIM), dtype=jnp.float32)
    # The value pushed: push(name, value) with value float32[B, dim]
    value = jax.random.normal(k2, (BATCH, DIM), dtype=jnp.float32)
    return {"mem": mem, "value": value}

def reference(mem, value):
    # Faithful translation of MemoryBank.push with offset ptr=0 and single-process
    # gather() (identity). Writes value into the ring buffer at [ptr:ptr+B],
    # clamping the batch if it would overflow the bank size k.
    ptr = 0
    k = mem.shape[0]
    batch_size = value.shape[0]
    if ptr + batch_size > k:
        batch_size = k - ptr
        value = value[:batch_size]
    value = jax.lax.stop_gradient(value)  # push() runs under torch.no_grad / detach
    new_mem = jax.lax.dynamic_update_slice(mem, value, (ptr, 0))
    # new offset would be (ptr + batch_size) % k; return updated bank contents
    return new_mem

if __name__ == "__main__":
    import jax
    _d = setup_inputs()
    print(jax.jit(kernel)(*tuple(_d.values())))

</pallas_src>

<mosaic_0001>
#map = affine_map<(d0, d1) -> (0, 0)>
module attributes {stable_mosaic.version = 14 : i64} {
  func.func @_sc_push(%arg0: i32, %arg1: i32, %arg2: memref<64x100000xf32, #tpu.memory_space<hbm>>, %arg3: memref<64x16384xf32, #tpu.memory_space<hbm>>, %arg4: memref<64x100000xf32, #tpu.memory_space<hbm>>, %arg5: memref<64x512xf32, #tpu.memory_space<vmem>>, %arg6: memref<64x512xf32, #tpu.memory_space<vmem>>, %arg7: memref<64x512xf32, #tpu.memory_space<vmem>>, %arg8: memref<!tpu.dma_semaphore, #tpu.memory_space<semaphore_mem>>, %arg9: memref<!tpu.dma_semaphore, #tpu.memory_space<semaphore_mem>>, %arg10: memref<!tpu.dma_semaphore, #tpu.memory_space<semaphore_mem>>, %arg11: memref<!tpu.dma_semaphore, #tpu.memory_space<semaphore_mem>>, %arg12: memref<!tpu.dma_semaphore, #tpu.memory_space<semaphore_mem>>, %arg13: memref<!tpu.dma_semaphore, #tpu.memory_space<semaphore_mem>>) attributes {dimension_semantics = [#tpu.dimension_semantics<core_parallel>, #tpu.dimension_semantics<subcore_parallel>], iteration_bounds = array<i64: 2, 16>, scalar_prefetch = 0 : i64, scratch_operands = 9 : i64, tpu.core_type = #tpu.core_type<sc_vector_subcore>, window_params = [{transform_indices = #map}, {transform_indices = #map}, {transform_indices = #map}]} {
    %mul3A = arith.constant 2 : i32
    %mul3A_0 = arith.muli %arg1, %mul3A : i32
    %add3A = arith.addi %mul3A_0, %arg0 : i32
    %mul3A_1 = arith.constant 512 : i32
    %mul3A_2 = arith.muli %add3A, %mul3A_1 : i32
    %add3A_3 = arith.constant 0 : i32
    %add3A_4 = arith.addi %add3A_3, %add3A : i32
    %mul3A_5 = arith.constant 512 : i32
    %mul3A_6 = arith.muli %add3A_4, %mul3A_5 : i32
    %add3A_7 = arith.constant 16384 : i32
    %add3A_8 = arith.addi %add3A_7, %mul3A_6 : i32
    %add3A_9 = arith.constant 32 : i32
    %add3A_10 = arith.addi %add3A_9, %add3A : i32
    %mul3A_11 = arith.constant 512 : i32
    %mul3A_12 = arith.muli %add3A_10, %mul3A_11 : i32
    %add3A_13 = arith.constant 16384 : i32
    %add3A_14 = arith.addi %add3A_13, %mul3A_12 : i32
    %add3A_15 = arith.constant 64 : i32
    %add3A_16 = arith.addi %add3A_15, %add3A : i32
    %mul3A_17 = arith.constant 512 : i32
    %mul3A_18 = arith.muli %add3A_16, %mul3A_17 : i32
    %add3A_19 = arith.constant 16384 : i32
    %add3A_20 = arith.addi %add3A_19, %mul3A_18 : i32
    %add3A_21 = arith.constant 96 : i32
    %add3A_22 = arith.addi %add3A_21, %add3A : i32
    %mul3A_23 = arith.constant 512 : i32
    %mul3A_24 = arith.muli %add3A_22, %mul3A_23 : i32
    %add3A_25 = arith.constant 16384 : i32
    %add3A_26 = arith.addi %add3A_25, %mul3A_24 : i32
    %add3A_27 = arith.constant 128 : i32
    %add3A_28 = arith.addi %add3A_27, %add3A : i32
    %mul3A_29 = arith.constant 512 : i32
    %mul3A_30 = arith.muli %add3A_28, %mul3A_29 : i32
    %add3A_31 = arith.constant 16384 : i32
    %add3A_32 = arith.addi %add3A_31, %mul3A_30 : i32
    %multiple_of3A = tpu.assume_multiple %mul3A_2, 128 : i32
    %dma_start3A = arith.constant 0 : i32
    %dma_start3A_33 = tpu.memref_slice %arg3[%dma_start3A, %multiple_of3A] : memref<64x16384xf32, #tpu.memory_space<hbm>> -> memref<64x512xf32, #tpu.memory_space<hbm>>
    %dma_start3A_34 = arith.constant 0 : i32
    %dma_start3A_35 = tpu.memref_slice %arg3[%dma_start3A_34, %multiple_of3A] : memref<64x16384xf32, #tpu.memory_space<hbm>> -> memref<64x512xf32, #tpu.memory_space<hbm>>
    tpu.enqueue_dma source(%dma_start3A_35 : memref<64x512xf32, #tpu.memory_space<hbm>>) target(%arg5 : memref<64x512xf32, #tpu.memory_space<vmem>>) target_semaphore(%arg8 : memref<!tpu.dma_semaphore, #tpu.memory_space<semaphore_mem>>)
    %multiple_of3A_36 = tpu.assume_multiple %add3A_8, 128 : i32
    %dma_start3A_37 = arith.constant 0 : i32
    %dma_start3A_38 = tpu.memref_slice %arg2[%dma_start3A_37, %multiple_of3A_36] : memref<64x100000xf32, #tpu.memory_space<hbm>> -> memref<64x512xf32, #tpu.memory_space<hbm>>
    %dma_start3A_39 = arith.constant 0 : i32
    %dma_start3A_40 = tpu.memref_slice %arg2[%dma_start3A_39, %multiple_of3A_36] : memref<64x100000xf32, #tpu.memory_space<hbm>> -> memref<64x512xf32, #tpu.memory_space<hbm>>
    tpu.enqueue_dma source(%dma_start3A_40 : memref<64x512xf32, #tpu.memory_space<hbm>>) target(%arg6 : memref<64x512xf32, #tpu.memory_space<vmem>>) target_semaphore(%arg9 : memref<!tpu.dma_semaphore, #tpu.memory_space<semaphore_mem>>)
    %multiple_of3A_41 = tpu.assume_multiple %add3A_14, 128 : i32
    %dma_start3A_42 = arith.constant 0 : i32
    %dma_start3A_43 = tpu.memref_slice %arg2[%dma_start3A_42, %multiple_of3A_41] : memref<64x100000xf32, #tpu.memory_space<hbm>> -> memref<64x512xf32, #tpu.memory_space<hbm>>
    %dma_start3A_44 = arith.constant 0 : i32
    %dma_start3A_45 = tpu.memref_slice %arg2[%dma_start3A_44, %multiple_of3A_41] : memref<64x100000xf32, #tpu.memory_space<hbm>> -> memref<64x512xf32, #tpu.memory_space<hbm>>
    tpu.enqueue_dma source(%dma_start3A_45 : memref<64x512xf32, #tpu.memory_space<hbm>>) target(%arg7 : memref<64x512xf32, #tpu.memory_space<vmem>>) target_semaphore(%arg10 : memref<!tpu.dma_semaphore, #tpu.memory_space<semaphore_mem>>)
    %dma_wait3A = arith.constant 0 : i32
    %dma_wait3A_46 = tpu.memref_slice %arg3[%dma_wait3A, %multiple_of3A] : memref<64x16384xf32, #tpu.memory_space<hbm>> -> memref<64x512xf32, #tpu.memory_space<hbm>>
    %dma_wait3A_47 = arith.constant 0 : i32
    %dma_wait3A_48 = tpu.memref_slice %arg3[%dma_wait3A_47, %multiple_of3A] : memref<64x16384xf32, #tpu.memory_space<hbm>> -> memref<64x512xf32, #tpu.memory_space<hbm>>
    tpu.wait_dma2 semaphore(%arg8 : memref<!tpu.dma_semaphore, #tpu.memory_space<semaphore_mem>>) src(%dma_wait3A_48 : memref<64x512xf32, #tpu.memory_space<hbm>>) dst(%arg5 : memref<64x512xf32, #tpu.memory_space<vmem>>)
    %multiple_of3A_49 = tpu.assume_multiple %mul3A_2, 128 : i32
    %dma_start3A_50 = arith.constant 0 : i32
    %dma_start3A_51 = tpu.memref_slice %arg4[%dma_start3A_50, %multiple_of3A_49] : memref<64x100000xf32, #tpu.memory_space<hbm>> -> memref<64x512xf32, #tpu.memory_space<hbm>>
    %dma_start3A_52 = arith.constant 0 : i32
    %dma_start3A_53 = tpu.memref_slice %arg4[%dma_start3A_52, %multiple_of3A_49] : memref<64x100000xf32, #tpu.memory_space<hbm>> -> memref<64x512xf32, #tpu.memory_space<hbm>>
    tpu.enqueue_dma source(%arg5 : memref<64x512xf32, #tpu.memory_space<vmem>>) target(%dma_start3A_53 : memref<64x512xf32, #tpu.memory_space<hbm>>) target_semaphore(%arg11 : memref<!tpu.dma_semaphore, #tpu.memory_space<semaphore_mem>>)
    %dma_wait3A_54 = arith.constant 0 : i32
    %dma_wait3A_55 = tpu.memref_slice %arg4[%dma_wait3A_54, %multiple_of3A_49] : memref<64x100000xf32, #tpu.memory_space<hbm>> -> memref<64x512xf32, #tpu.memory_space<hbm>>
    %dma_wait3A_56 = arith.constant 0 : i32
    %dma_wait3A_57 = tpu.memref_slice %arg4[%dma_wait3A_56, %multiple_of3A_49] : memref<64x100000xf32, #tpu.memory_space<hbm>> -> memref<64x512xf32, #tpu.memory_space<hbm>>
    tpu.wait_dma2 semaphore(%arg11 : memref<!tpu.dma_semaphore, #tpu.memory_space<semaphore_mem>>) src(%arg5 : memref<64x512xf32, #tpu.memory_space<vmem>>) dst(%dma_wait3A_57 : memref<64x512xf32, #tpu.memory_space<hbm>>)
    %multiple_of3A_58 = tpu.assume_multiple %add3A_20, 128 : i32
    %dma_start3A_59 = arith.constant 0 : i32
    %dma_start3A_60 = tpu.memref_slice %arg2[%dma_start3A_59, %multiple_of3A_58] : memref<64x100000xf32, #tpu.memory_space<hbm>> -> memref<64x512xf32, #tpu.memory_space<hbm>>
    %dma_start3A_61 = arith.constant 0 : i32
    %dma_start3A_62 = tpu.memref_slice %arg2[%dma_start3A_61, %multiple_of3A_58] : memref<64x100000xf32, #tpu.memory_space<hbm>> -> memref<64x512xf32, #tpu.memory_space<hbm>>
    tpu.enqueue_dma source(%dma_start3A_62 : memref<64x512xf32, #tpu.memory_space<hbm>>) target(%arg5 : memref<64x512xf32, #tpu.memory_space<vmem>>) target_semaphore(%arg8 : memref<!tpu.dma_semaphore, #tpu.memory_space<semaphore_mem>>)
    %dma_wait3A_63 = arith.constant 0 : i32
    %dma_wait3A_64 = tpu.memref_slice %arg2[%dma_wait3A_63, %multiple_of3A_36] : memref<64x100000xf32, #tpu.memory_space<hbm>> -> memref<64x512xf32, #tpu.memory_space<hbm>>
    %dma_wait3A_65 = arith.constant 0 : i32
    %dma_wait3A_66 = tpu.memref_slice %arg2[%dma_wait3A_65, %multiple_of3A_36] : memref<64x100000xf32, #tpu.memory_space<hbm>> -> memref<64x512xf32, #tpu.memory_space<hbm>>
    tpu.wait_dma2 semaphore(%arg9 : memref<!tpu.dma_semaphore, #tpu.memory_space<semaphore_mem>>) src(%dma_wait3A_66 : memref<64x512xf32, #tpu.memory_space<hbm>>) dst(%arg6 : memref<64x512xf32, #tpu.memory_space<vmem>>)
    %multiple_of3A_67 = tpu.assume_multiple %add3A_8, 128 : i32
    %dma_start3A_68 = arith.constant 0 : i32
    %dma_start3A_69 = tpu.memref_slice %arg4[%dma_start3A_68, %multiple_of3A_67] : memref<64x100000xf32, #tpu.memory_space<hbm>> -> memref<64x512xf32, #tpu.memory_space<hbm>>
    %dma_start3A_70 = arith.constant 0 : i32
    %dma_start3A_71 = tpu.memref_slice %arg4[%dma_start3A_70, %multiple_of3A_67] : memref<64x100000xf32, #tpu.memory_space<hbm>> -> memref<64x512xf32, #tpu.memory_space<hbm>>
    tpu.enqueue_dma source(%arg6 : memref<64x512xf32, #tpu.memory_space<vmem>>) target(%dma_start3A_71 : memref<64x512xf32, #tpu.memory_space<hbm>>) target_semaphore(%arg12 : memref<!tpu.dma_semaphore, #tpu.memory_space<semaphore_mem>>)
    %dma_wait3A_72 = arith.constant 0 : i32
    %dma_wait3A_73 = tpu.memref_slice %arg4[%dma_wait3A_72, %multiple_of3A_67] : memref<64x100000xf32, #tpu.memory_space<hbm>> -> memref<64x512xf32, #tpu.memory_space<hbm>>
    %dma_wait3A_74 = arith.constant 0 : i32
    %dma_wait3A_75 = tpu.memref_slice %arg4[%dma_wait3A_74, %multiple_of3A_67] : memref<64x100000xf32, #tpu.memory_space<hbm>> -> memref<64x512xf32, #tpu.memory_space<hbm>>
    tpu.wait_dma2 semaphore(%arg12 : memref<!tpu.dma_semaphore, #tpu.memory_space<semaphore_mem>>) src(%arg6 : memref<64x512xf32, #tpu.memory_space<vmem>>) dst(%dma_wait3A_75 : memref<64x512xf32, #tpu.memory_space<hbm>>)
    %multiple_of3A_76 = tpu.assume_multiple %add3A_26, 128 : i32
    %dma_start3A_77 = arith.constant 0 : i32
    %dma_start3A_78 = tpu.memref_slice %arg2[%dma_start3A_77, %multiple_of3A_76] : memref<64x100000xf32, #tpu.memory_space<hbm>> -> memref<64x512xf32, #tpu.memory_space<hbm>>
    %dma_start3A_79 = arith.constant 0 : i32
    %dma_start3A_80 = tpu.memref_slice %arg2[%dma_start3A_79, %multiple_of3A_76] : memref<64x100000xf32, #tpu.memory_space<hbm>> -> memref<64x512xf32, #tpu.memory_space<hbm>>
    tpu.enqueue_dma source(%dma_start3A_80 : memref<64x512xf32, #tpu.memory_space<hbm>>) target(%arg6 : memref<64x512xf32, #tpu.memory_space<vmem>>) target_semaphore(%arg9 : memref<!tpu.dma_semaphore, #tpu.memory_space<semaphore_mem>>)
    %dma_wait3A_81 = arith.constant 0 : i32
    %dma_wait3A_82 = tpu.memref_slice %arg2[%dma_wait3A_81, %multiple_of3A_41] : memref<64x100000xf32, #tpu.memory_space<hbm>> -> memref<64x512xf32, #tpu.memory_space<hbm>>
    %dma_wait3A_83 = arith.constant 0 : i32
    %dma_wait3A_84 = tpu.memref_slice %arg2[%dma_wait3A_83, %multiple_of3A_41] : memref<64x100000xf32, #tpu.memory_space<hbm>> -> memref<64x512xf32, #tpu.memory_space<hbm>>
    tpu.wait_dma2 semaphore(%arg10 : memref<!tpu.dma_semaphore, #tpu.memory_space<semaphore_mem>>) src(%dma_wait3A_84 : memref<64x512xf32, #tpu.memory_space<hbm>>) dst(%arg7 : memref<64x512xf32, #tpu.memory_space<vmem>>)
    %multiple_of3A_85 = tpu.assume_multiple %add3A_14, 128 : i32
    %dma_start3A_86 = arith.constant 0 : i32
    %dma_start3A_87 = tpu.memref_slice %arg4[%dma_start3A_86, %multiple_of3A_85] : memref<64x100000xf32, #tpu.memory_space<hbm>> -> memref<64x512xf32, #tpu.memory_space<hbm>>
    %dma_start3A_88 = arith.constant 0 : i32
    %dma_start3A_89 = tpu.memref_slice %arg4[%dma_start3A_88, %multiple_of3A_85] : memref<64x100000xf32, #tpu.memory_space<hbm>> -> memref<64x512xf32, #tpu.memory_space<hbm>>
    tpu.enqueue_dma source(%arg7 : memref<64x512xf32, #tpu.memory_space<vmem>>) target(%dma_start3A_89 : memref<64x512xf32, #tpu.memory_space<hbm>>) target_semaphore(%arg13 : memref<!tpu.dma_semaphore, #tpu.memory_space<semaphore_mem>>)
    %dma_wait3A_90 = arith.constant 0 : i32
    %dma_wait3A_91 = tpu.memref_slice %arg4[%dma_wait3A_90, %multiple_of3A_85] : memref<64x100000xf32, #tpu.memory_space<hbm>> -> memref<64x512xf32, #tpu.memory_space<hbm>>
    %dma_wait3A_92 = arith.constant 0 : i32
    %dma_wait3A_93 = tpu.memref_slice %arg4[%dma_wait3A_92, %multiple_of3A_85] : memref<64x100000xf32, #tpu.memory_space<hbm>> -> memref<64x512xf32, #tpu.memory_space<hbm>>
    tpu.wait_dma2 semaphore(%arg13 : memref<!tpu.dma_semaphore, #tpu.memory_space<semaphore_mem>>) src(%arg7 : memref<64x512xf32, #tpu.memory_space<vmem>>) dst(%dma_wait3A_93 : memref<64x512xf32, #tpu.memory_space<hbm>>)
    %multiple_of3A_94 = tpu.assume_multiple %add3A_32, 128 : i32
    %dma_start3A_95 = arith.constant 0 : i32
    %dma_start3A_96 = tpu.memref_slice %arg2[%dma_start3A_95, %multiple_of3A_94] : memref<64x100000xf32, #tpu.memory_space<hbm>> -> memref<64x512xf32, #tpu.memory_space<hbm>>
    %dma_start3A_97 = arith.constant 0 : i32
    %dma_start3A_98 = tpu.memref_slice %arg2[%dma_start3A_97, %multiple_of3A_94] : memref<64x100000xf32, #tpu.memory_space<hbm>> -> memref<64x512xf32, #tpu.memory_space<hbm>>
    tpu.enqueue_dma source(%dma_start3A_98 : memref<64x512xf32, #tpu.memory_space<hbm>>) target(%arg7 : memref<64x512xf32, #tpu.memory_space<vmem>>) target_semaphore(%arg10 : memref<!tpu.dma_semaphore, #tpu.memory_space<semaphore_mem>>)
    %dma_wait3A_99 = arith.constant 0 : i32
    %dma_wait3A_100 = tpu.memref_slice %arg2[%dma_wait3A_99, %multiple_of3A_58] : memref<64x100000xf32, #tpu.memory_space<hbm>> -> memref<64x512xf32, #tpu.memory_space<hbm>>
    %dma_wait3A_101 = arith.constant 0 : i32
    %dma_wait3A_102 = tpu.memref_slice %arg2[%dma_wait3A_101, %multiple_of3A_58] : memref<64x100000xf32, #tpu.memory_space<hbm>> -> memref<64x512xf32, #tpu.memory_space<hbm>>
    tpu.wait_dma2 semaphore(%arg8 : memref<!tpu.dma_semaphore, #tpu.memory_space<semaphore_mem>>) src(%dma_wait3A_102 : memref<64x512xf32, #tpu.memory_space<hbm>>) dst(%arg5 : memref<64x512xf32, #tpu.memory_space<vmem>>)
    %multiple_of3A_103 = tpu.assume_multiple %add3A_20, 128 : i32
    %dma_start3A_104 = arith.constant 0 : i32
    %dma_start3A_105 = tpu.memref_slice %arg4[%dma_start3A_104, %multiple_of3A_103] : memref<64x100000xf32, #tpu.memory_space<hbm>> -> memref<64x512xf32, #tpu.memory_space<hbm>>
    %dma_start3A_106 = arith.constant 0 : i32
    %dma_start3A_107 = tpu.memref_slice %arg4[%dma_start3A_106, %multiple_of3A_103] : memref<64x100000xf32, #tpu.memory_space<hbm>> -> memref<64x512xf32, #tpu.memory_space<hbm>>
    tpu.enqueue_dma source(%arg5 : memref<64x512xf32, #tpu.memory_space<vmem>>) target(%dma_start3A_107 : memref<64x512xf32, #tpu.memory_space<hbm>>) target_semaphore(%arg11 : memref<!tpu.dma_semaphore, #tpu.memory_space<semaphore_mem>>)
    %dma_wait3A_108 = arith.constant 0 : i32
    %dma_wait3A_109 = tpu.memref_slice %arg2[%dma_wait3A_108, %multiple_of3A_76] : memref<64x100000xf32, #tpu.memory_space<hbm>> -> memref<64x512xf32, #tpu.memory_space<hbm>>
    %dma_wait3A_110 = arith.constant 0 : i32
    %dma_wait3A_111 = tpu.memref_slice %arg2[%dma_wait3A_110, %multiple_of3A_76] : memref<64x100000xf32, #tpu.memory_space<hbm>> -> memref<64x512xf32, #tpu.memory_space<hbm>>
    tpu.wait_dma2 semaphore(%arg9 : memref<!tpu.dma_semaphore, #tpu.memory_space<semaphore_mem>>) src(%dma_wait3A_111 : memref<64x512xf32, #tpu.memory_space<hbm>>) dst(%arg6 : memref<64x512xf32, #tpu.memory_space<vmem>>)
    %multiple_of3A_112 = tpu.assume_multiple %add3A_26, 128 : i32
    %dma_start3A_113 = arith.constant 0 : i32
    %dma_start3A_114 = tpu.memref_slice %arg4[%dma_start3A_113, %multiple_of3A_112] : memref<64x100000xf32, #tpu.memory_space<hbm>> -> memref<64x512xf32, #tpu.memory_space<hbm>>
    %dma_start3A_115 = arith.constant 0 : i32
    %dma_start3A_116 = tpu.memref_slice %arg4[%dma_start3A_115, %multiple_of3A_112] : memref<64x100000xf32, #tpu.memory_space<hbm>> -> memref<64x512xf32, #tpu.memory_space<hbm>>
    tpu.enqueue_dma source(%arg6 : memref<64x512xf32, #tpu.memory_space<vmem>>) target(%dma_start3A_116 : memref<64x512xf32, #tpu.memory_space<hbm>>) target_semaphore(%arg12 : memref<!tpu.dma_semaphore, #tpu.memory_space<semaphore_mem>>)
    %dma_wait3A_117 = arith.constant 0 : i32
    %dma_wait3A_118 = tpu.memref_slice %arg2[%dma_wait3A_117, %multiple_of3A_94] : memref<64x100000xf32, #tpu.memory_space<hbm>> -> memref<64x512xf32, #tpu.memory_space<hbm>>
    %dma_wait3A_119 = arith.constant 0 : i32
    %dma_wait3A_120 = tpu.memref_slice %arg2[%dma_wait3A_119, %multiple_of3A_94] : memref<64x100000xf32, #tpu.memory_space<hbm>> -> memref<64x512xf32, #tpu.memory_space<hbm>>
    tpu.wait_dma2 semaphore(%arg10 : memref<!tpu.dma_semaphore, #tpu.memory_space<semaphore_mem>>) src(%dma_wait3A_120 : memref<64x512xf32, #tpu.memory_space<hbm>>) dst(%arg7 : memref<64x512xf32, #tpu.memory_space<vmem>>)
    %multiple_of3A_121 = tpu.assume_multiple %add3A_32, 128 : i32
    %dma_start3A_122 = arith.constant 0 : i32
    %dma_start3A_123 = tpu.memref_slice %arg4[%dma_start3A_122, %multiple_of3A_121] : memref<64x100000xf32, #tpu.memory_space<hbm>> -> memref<64x512xf32, #tpu.memory_space<hbm>>
    %dma_start3A_124 = arith.constant 0 : i32
    %dma_start3A_125 = tpu.memref_slice %arg4[%dma_start3A_124, %multiple_of3A_121] : memref<64x100000xf32, #tpu.memory_space<hbm>> -> memref<64x512xf32, #tpu.memory_space<hbm>>
    tpu.enqueue_dma source(%arg7 : memref<64x512xf32, #tpu.memory_space<vmem>>) target(%dma_start3A_125 : memref<64x512xf32, #tpu.memory_space<hbm>>) target_semaphore(%arg13 : memref<!tpu.dma_semaphore, #tpu.memory_space<semaphore_mem>>)
    %dma_wait3A_126 = arith.constant 0 : i32
    %dma_wait3A_127 = tpu.memref_slice %arg4[%dma_wait3A_126, %multiple_of3A_103] : memref<64x100000xf32, #tpu.memory_space<hbm>> -> memref<64x512xf32, #tpu.memory_space<hbm>>
    %dma_wait3A_128 = arith.constant 0 : i32
    %dma_wait3A_129 = tpu.memref_slice %arg4[%dma_wait3A_128, %multiple_of3A_103] : memref<64x100000xf32, #tpu.memory_space<hbm>> -> memref<64x512xf32, #tpu.memory_space<hbm>>
    tpu.wait_dma2 semaphore(%arg11 : memref<!tpu.dma_semaphore, #tpu.memory_space<semaphore_mem>>) src(%arg5 : memref<64x512xf32, #tpu.memory_space<vmem>>) dst(%dma_wait3A_129 : memref<64x512xf32, #tpu.memory_space<hbm>>)
    %dma_wait3A_130 = arith.constant 0 : i32
    %dma_wait3A_131 = tpu.memref_slice %arg4[%dma_wait3A_130, %multiple_of3A_112] : memref<64x100000xf32, #tpu.memory_space<hbm>> -> memref<64x512xf32, #tpu.memory_space<hbm>>
    %dma_wait3A_132 = arith.constant 0 : i32
    %dma_wait3A_133 = tpu.memref_slice %arg4[%dma_wait3A_132, %multiple_of3A_112] : memref<64x100000xf32, #tpu.memory_space<hbm>> -> memref<64x512xf32, #tpu.memory_space<hbm>>
    tpu.wait_dma2 semaphore(%arg12 : memref<!tpu.dma_semaphore, #tpu.memory_space<semaphore_mem>>) src(%arg6 : memref<64x512xf32, #tpu.memory_space<vmem>>) dst(%dma_wait3A_133 : memref<64x512xf32, #tpu.memory_space<hbm>>)
    %dma_wait3A_134 = arith.constant 0 : i32
    %dma_wait3A_135 = tpu.memref_slice %arg4[%dma_wait3A_134, %multiple_of3A_121] : memref<64x100000xf32, #tpu.memory_space<hbm>> -> memref<64x512xf32, #tpu.memory_space<hbm>>
    %dma_wait3A_136 = arith.constant 0 : i32
    %dma_wait3A_137 = tpu.memref_slice %arg4[%dma_wait3A_136, %multiple_of3A_121] : memref<64x100000xf32, #tpu.memory_space<hbm>> -> memref<64x512xf32, #tpu.memory_space<hbm>>
    tpu.wait_dma2 semaphore(%arg13 : memref<!tpu.dma_semaphore, #tpu.memory_space<semaphore_mem>>) src(%arg7 : memref<64x512xf32, #tpu.memory_space<vmem>>) dst(%dma_wait3A_137 : memref<64x512xf32, #tpu.memory_space<hbm>>)
    %lt3A = arith.constant 13 : i32
    %lt3A_138 = arith.cmpi slt, %add3A, %lt3A : i32
    %convert_element_type3A = arith.extui %lt3A_138 : i1 to i32
    %cond3A = arith.constant 0 : i32
    %cond3A_139 = arith.cmpi ne, %convert_element_type3A, %cond3A : i32
    scf.if %cond3A_139 {
      %mul3A_140 = arith.constant 128 : i32
      %mul3A_141 = arith.muli %add3A, %mul3A_140 : i32
      %add3A_142 = arith.constant 98304 : i32
      %add3A_143 = arith.addi %add3A_142, %mul3A_141 : i32
      %multiple_of3A_144 = tpu.assume_multiple %add3A_143, 128 : i32
      %dma_start3A_145 = arith.constant 0 : i32
      %dma_start3A_146 = arith.constant 0 : i32
      %dma_start3A_147 = tpu.memref_slice %arg5[%dma_start3A_145, %dma_start3A_146] : memref<64x512xf32, #tpu.memory_space<vmem>> -> memref<64x128xf32, #tpu.memory_space<vmem>>
      %dma_start3A_148 = arith.constant 0 : i32
      %dma_start3A_149 = tpu.memref_slice %arg2[%dma_start3A_148, %multiple_of3A_144] : memref<64x100000xf32, #tpu.memory_space<hbm>> -> memref<64x128xf32, #tpu.memory_space<hbm>>
      %dma_start3A_150 = arith.constant 0 : i32
      %dma_start3A_151 = arith.constant 0 : i32
      %dma_start3A_152 = tpu.memref_slice %arg5[%dma_start3A_150, %dma_start3A_151] : memref<64x512xf32, #tpu.memory_space<vmem>> -> memref<64x128xf32, #tpu.memory_space<vmem>>
      %dma_start3A_153 = arith.constant 0 : i32
      %dma_start3A_154 = tpu.memref_slice %arg2[%dma_start3A_153, %multiple_of3A_144] : memref<64x100000xf32, #tpu.memory_space<hbm>> -> memref<64x128xf32, #tpu.memory_space<hbm>>
      tpu.enqueue_dma source(%dma_start3A_154 : memref<64x128xf32, #tpu.memory_space<hbm>>) target(%dma_start3A_152 : memref<64x128xf32, #tpu.memory_space<vmem>>) target_semaphore(%arg8 : memref<!tpu.dma_semaphore, #tpu.memory_space<semaphore_mem>>)
      %dma_wait3A_155 = arith.constant 0 : i32
      %dma_wait3A_156 = arith.constant 0 : i32
      %dma_wait3A_157 = tpu.memref_slice %arg5[%dma_wait3A_155, %dma_wait3A_156] : memref<64x512xf32, #tpu.memory_space<vmem>> -> memref<64x128xf32, #tpu.memory_space<vmem>>
      %dma_wait3A_158 = arith.constant 0 : i32
      %dma_wait3A_159 = tpu.memref_slice %arg2[%dma_wait3A_158, %multiple_of3A_144] : memref<64x100000xf32, #tpu.memory_space<hbm>> -> memref<64x128xf32, #tpu.memory_space<hbm>>
      %dma_wait3A_160 = arith.constant 0 : i32
      %dma_wait3A_161 = arith.constant 0 : i32
      %dma_wait3A_162 = tpu.memref_slice %arg5[%dma_wait3A_160, %dma_wait3A_161] : memref<64x512xf32, #tpu.memory_space<vmem>> -> memref<64x128xf32, #tpu.memory_space<vmem>>
      %dma_wait3A_163 = arith.constant 0 : i32
      %dma_wait3A_164 = tpu.memref_slice %arg2[%dma_wait3A_163, %multiple_of3A_144] : memref<64x100000xf32, #tpu.memory_space<hbm>> -> memref<64x128xf32, #tpu.memory_space<hbm>>
      tpu.wait_dma2 semaphore(%arg8 : memref<!tpu.dma_semaphore, #tpu.memory_space<semaphore_mem>>) src(%dma_wait3A_164 : memref<64x128xf32, #tpu.memory_space<hbm>>) dst(%dma_wait3A_162 : memref<64x128xf32, #tpu.memory_space<vmem>>)
      %dma_start3A_165 = arith.constant 0 : i32
      %dma_start3A_166 = arith.constant 0 : i32
      %dma_start3A_167 = tpu.memref_slice %arg5[%dma_start3A_165, %dma_start3A_166] : memref<64x512xf32, #tpu.memory_space<vmem>> -> memref<64x128xf32, #tpu.memory_space<vmem>>
      %dma_start3A_168 = arith.constant 0 : i32
      %dma_start3A_169 = tpu.memref_slice %arg4[%dma_start3A_168, %multiple_of3A_144] : memref<64x100000xf32, #tpu.memory_space<hbm>> -> memref<64x128xf32, #tpu.memory_space<hbm>>
      %dma_start3A_170 = arith.constant 0 : i32
      %dma_start3A_171 = tpu.memref_slice %arg4[%dma_start3A_170, %multiple_of3A_144] : memref<64x100000xf32, #tpu.memory_space<hbm>> -> memref<64x128xf32, #tpu.memory_space<hbm>>
      %dma_start3A_172 = arith.constant 0 : i32
      %dma_start3A_173 = arith.constant 0 : i32
      %dma_start3A_174 = tpu.memref_slice %arg5[%dma_start3A_172, %dma_start3A_173] : memref<64x512xf32, #tpu.memory_space<vmem>> -> memref<64x128xf32, #tpu.memory_space<vmem>>
      tpu.enqueue_dma source(%dma_start3A_174 : memref<64x128xf32, #tpu.memory_space<vmem>>) target(%dma_start3A_171 : memref<64x128xf32, #tpu.memory_space<hbm>>) target_semaphore(%arg11 : memref<!tpu.dma_semaphore, #tpu.memory_space<semaphore_mem>>)
      %dma_wait3A_175 = arith.constant 0 : i32
      %dma_wait3A_176 = arith.constant 0 : i32
      %dma_wait3A_177 = tpu.memref_slice %arg5[%dma_wait3A_175, %dma_wait3A_176] : memref<64x512xf32, #tpu.memory_space<vmem>> -> memref<64x128xf32, #tpu.memory_space<vmem>>
      %dma_wait3A_178 = arith.constant 0 : i32
      %dma_wait3A_179 = tpu.memref_slice %arg4[%dma_wait3A_178, %multiple_of3A_144] : memref<64x100000xf32, #tpu.memory_space<hbm>> -> memref<64x128xf32, #tpu.memory_space<hbm>>
      %dma_wait3A_180 = arith.constant 0 : i32
      %dma_wait3A_181 = tpu.memref_slice %arg4[%dma_wait3A_180, %multiple_of3A_144] : memref<64x100000xf32, #tpu.memory_space<hbm>> -> memref<64x128xf32, #tpu.memory_space<hbm>>
      %dma_wait3A_182 = arith.constant 0 : i32
      %dma_wait3A_183 = arith.constant 0 : i32
      %dma_wait3A_184 = tpu.memref_slice %arg5[%dma_wait3A_182, %dma_wait3A_183] : memref<64x512xf32, #tpu.memory_space<vmem>> -> memref<64x128xf32, #tpu.memory_space<vmem>>
      tpu.wait_dma2 semaphore(%arg11 : memref<!tpu.dma_semaphore, #tpu.memory_space<semaphore_mem>>) src(%dma_wait3A_184 : memref<64x128xf32, #tpu.memory_space<vmem>>) dst(%dma_wait3A_181 : memref<64x128xf32, #tpu.memory_space<hbm>>)
    } else {
    }
    return
  }
}

</mosaic_0001>

<sc_bundles>
// kernel: kernel.3.cloned.1.call-start
scs
__scs_entry_jumppad:
0x0: {  	(pc) =	sbr.rel $0x88, $3  }
0x1: {  	(tag) =	ssettag $0x0;
	lr =	simm.s32 $0x1  }
0x2: {  	[smem:$0x3F9F] =	sst lr;
	_ =	strace $0xD0000000  }
0x3: {  	_ = 	snop  }
0x4: {  	_ = 	snop  }
0x5: {  	_ = 	snop  }
0x6: {  	_ = 	snop  }
0x7: {  	_ = 	snop  }
__scs_overlays_trampoline_lowered:
0x8: {  	[smem:$0x3FAE] =	sst s0  }
0x9: {  	[smem:$0x3FAF] =	sst s1  }
0xa: {  	[smem:$0x3FB0] =	sst s2  }
0xb: {  	[smem:$0x3FB1] =	sst s3  }
0xc: {  	[smem:$0x3FB2] =	sst s4  }
0xd: {  	[smem:$0x3FB3] =	sst s5  }
0xe: {  	[smem:$0x3FB4] =	sst s6  }
0xf: {  	[smem:$0x3FB5] =	sst s7  }
0x10: {  	[smem:$0x3FB6] =	sst s8  }
0x11: {  	[smem:$0x3FB7] =	sst s9;
	s0 =	simm.s32 @!p0 $0x0  }
0x12: {  	s1 =	sld [smem:$0x3F9D];
	s0 =	simm.s32 @p0 $0x1  }
0x13: {  	[smem:$0x3FB8] =	sst s0;
	s0 =	simm.s32 @!p1 $0x0  }
0x14: {  	s2 =	sld [smem:$0x3F9C];
	s0 =	simm.s32 @p1 $0x1  }
0x15: {  	[smem:$0x3FB9] =	sst s0;
	s0 =	simm.s32 @!p2 $0x0  }
0x16: {  	s3 =	sld [smem:$0x3FDB];
	s0 =	simm.s32 @p2 $0x1  }
0x17: {  	s4 =	simm.s32 $0x1BF5;
	[smem:$0x3FBB] =	sst s0  }
0x18: {  	s0 =	sld [smem:$0x3F9E];
	_ =	swait.ge [sflag:s4], $0x0  }
0x19: {  	s7 =	sld [smem:$0x3F9F]  }
0x1a: {  	s8 =	sadd.s32 $0xFFFFE003, lr  }
0x1b: {  	s9 =	sadd.s32 $0xFFFFFEF7, lr;
	s5 =	simm.s32 $0xFFFFFFFF;
	p2 =	slt.u32 s8, $0xFFFFF086  }
0x1c: {  	p1 =	slt.u32 s9, $0xF7A;
	s5 =	simm.s32 @!p2 $0x0  }
0x1d: {  	s5 =	simm.s32 @p1 $0x1;
	p0 =	seq.s32 s7, s2  }
0x1e: {  	s7 =	smul.u32 @!p0 $0xF7A, s2;
	p2 =	seq.s32 @!p0 s5, $0x0  }
0x1f: {  	s9 =	smul.u32 $0xF7A, s1;
	s8 =	simm.s32 @!p0 $0x1BF5;
	p2 =	por !p2, p0  }
0x20: {  	[sflag:s8] =	ssyncset.s32 @!p0 $0xFFFFF086;
	s6 =	sadd.s32 @!p0 s3, s7;
	s7 =	simm.s32 @!p0 $0x108  }
0x21: {  	s3 =	sadd.s32 s3, s9;
	s6 =	sadd.s32 @!p0 $0x88, s6;
	s7 =	simm.s32 @p2 $0x1082  }
0x22: {  	[simem:s7], [sflag:s8] =	dma.local @!p0 [hbm:s6], $0xF7A  }
0x23: {  	s9 =	sor.u32 $0xD0000000, s2;
	s6 =	simm.s32 $0x108;
	_ =	swait.ge @!p0 [sflag:s8], $0x0  }
0x24: {  	s3 =	sadd.s32 $0x88, s3;
	s6 =	simm.s32 @!p1 $0x1082;
	[sflag:s4] =	ssyncset.s32 $0xFFFFF086  }
0x25: {  	[simem:s6], [sflag:s4] =	dma.local [hbm:s3], $0xF7A  }
0x26: {  	[smem:$0x3F9F] =	sst s1;
	(tag) =	ssettag s2;
	_ =	strace s9  }
0x27: {  	s1 =	sld [smem:$0x3FAF]  }
0x28: {  	s2 =	sld [smem:$0x3FB0]  }
0x29: {  	s4 =	sld [smem:$0x3FB2]  }
0x2a: {  	p0 =	seq.s32 s5, $0x0;
	s5 =	sld [smem:$0x3FB3]  }
0x2b: {  	s6 =	sld [smem:$0x3FB4]  }
0x2c: {  	s7 =	sld [smem:$0x3FB5]  }
0x2d: {  	s3 =	simm.s32 $0x108;
	s8 =	sld [smem:$0x3FB6]  }
0x2e: {  	s3 =	simm.s32 @!p0 $0x1082;
	s9 =	sld [smem:$0x3FB7]  }
0x2f: {  	lr =	sadd.s32 s0, s3;
	s0 =	sld [smem:$0x3FAE]  }
0x30: {  	s3 =	sld [smem:$0x3FB1]  }
0x31: {  	[smem:$0x3FBA] =	sst s10  }
0x32: {  	s10 =	sld [smem:$0x3FB8];
	_ =	sdelay $0x3  }
0x33: {  	p0 =	seq.s32 s10, $0x1;
	s10 =	sld [smem:$0x3FBA];
	_ =	sdelay $0x3  }
0x34: {  	[smem:$0x3FBA] =	sst s10  }
0x35: {  	s10 =	sld [smem:$0x3FB9];
	_ =	sdelay $0x3  }
0x36: {  	p1 =	seq.s32 s10, $0x1;
	s10 =	sld [smem:$0x3FBA];
	_ =	sdelay $0x3  }
0x37: {  	[smem:$0x3FBA] =	sst s10  }
0x38: {  	s10 =	sld [smem:$0x3FBB]  }
0x39: {  	_ = 	snop;
	(pc) =	sbr.ind lr, $3  }
0x3a: {  	_ = 	snop  }
0x3b: {  	_ = 	snop  }
0x3c: {  	p2 =	seq.s32 s10, $0x1;
	s10 =	sld [smem:$0x3FBA]  }
0x3d: {  	_ =	shalt  }
0x3e: {  	_ =	shalt  }
0x3f: {  	_ =	shalt  }
0x40: {  	_ =	shalt  }
0x41: {  	_ =	shalt  }
0x42: {  	_ =	shalt  }
0x43: {  	_ =	shalt  }
0x44: {  	_ =	shalt  }
0x45: {  	_ =	shalt  }
0x46: {  	_ =	shalt  }
0x47: {  	_ =	shalt  }
0x48: {  	_ =	shalt  }
0x49: {  	_ =	shalt  }
0x4a: {  	_ =	shalt  }
0x4b: {  	_ =	shalt  }
0x4c: {  	_ =	shalt  }
0x4d: {  	_ =	shalt  }
0x4e: {  	_ =	shalt  }
0x4f: {  	_ =	shalt  }
0x50: {  	_ =	shalt  }
0x51: {  	_ =	shalt  }
0x52: {  	_ =	shalt  }
0x53: {  	_ =	shalt  }
0x54: {  	_ =	shalt  }
0x55: {  	_ =	shalt  }
0x56: {  	_ =	shalt  }
0x57: {  	_ =	shalt  }
0x58: {  	_ =	shalt  }
0x59: {  	_ =	shalt  }
0x5a: {  	_ =	shalt  }
0x5b: {  	_ =	shalt  }
0x5c: {  	_ =	shalt  }
0x5d: {  	_ =	shalt  }
0x5e: {  	_ =	shalt  }
0x5f: {  	_ =	shalt  }
0x60: {  	_ =	shalt  }
0x61: {  	_ =	shalt  }
0x62: {  	_ =	shalt  }
0x63: {  	_ =	shalt  }
0x64: {  	_ =	shalt  }
0x65: {  	_ =	shalt  }
0x66: {  	_ =	shalt  }
0x67: {  	_ =	shalt  }
0x68: {  	_ =	shalt  }
0x69: {  	_ =	shalt  }
0x6a: {  	_ =	shalt  }
0x6b: {  	_ =	shalt  }
0x6c: {  	_ =	shalt  }
0x6d: {  	_ =	shalt  }
0x6e: {  	_ =	shalt  }
0x6f: {  	_ =	shalt  }
0x70: {  	_ =	shalt  }
0x71: {  	_ =	shalt  }
0x72: {  	_ =	shalt  }
0x73: {  	_ =	shalt  }
0x74: {  	_ =	shalt  }
0x75: {  	_ =	shalt  }
0x76: {  	_ =	shalt  }
0x77: {  	_ =	shalt  }
0x78: {  	_ =	shalt  }
0x79: {  	_ =	shalt  }
0x7a: {  	_ =	shalt  }
0x7b: {  	_ =	shalt  }
0x7c: {  	_ =	shalt  }
0x7d: {  	_ =	shalt  }
0x7e: {  	_ =	shalt  }
0x7f: {  	_ =	shalt  }
0x80: {  	_ =	shalt  }
0x81: {  	_ =	shalt  }
0x82: {  	_ =	shalt  }
0x83: {  	_ =	shalt  }
0x84: {  	_ =	shalt  }
0x85: {  	_ =	shalt  }
0x86: {  	_ =	shalt  }
0x87: {  	_ =	shalt  }
.Lfunc_end0:
.L_simem_size_0:
called_computation_lowered:
.L_overlay_start_0:
0x88: {  	s2 =	sld [smem:$0x3FD9]  }
0x89: {  	s3 =	sld [smem:$0x3FFE];
	_ =	sdelay $0x1  }
0x8a: {  	s1 =	srdreg.scid  }
0x8b: {  	s0 =	sand.u32 $0x1, s1  }
0x8c: {  	s18 =	sshll.u32 s0, $0xA;
	s2 =	sadd.s32 s3, s2  }
0x8d: {  	s2 =	sadd.s32 s2, s18  }
0x8e: {  	[smem:$0x3FC6] =	sst s2  }
0x8f: {  	_ = 	snop  }
0x90: {  	s2 =	sld [smem:$0x3FC9]  }
0x91: {  	s19 =	sld [smem:$0x3FC8]  }
0x92: {  	s4 =	sld [smem:$0x3FD0];
	(tm) =	ssettm $0x1  }
0x93: {  	s5 =	sld [smem:$0x3FFB];
	_ =	sdelay $0x3  }
0x94: {  	_ =	strace s5  }
0x95: {  	s5 =	sld [smem:$0x3FFC];
	_ =	sdelay $0x3  }
0x96: {  	_ =	strace s5  }
0x97: {  	s5 =	sld [smem:$0x3FFD];
	_ =	sdelay $0x3  }
0x98: {  	_ =	strace s5  }
0x99: {  	_ =	strace $0x8FFFFFFF  }
0x9a: {  	s20 =	sld [smem:$0x3FDB];
	_ =	sdelay $0x1  }
0x9b: {  	s6 =	simm.s32 $_scs_section_size  }
0x9c: {  	s7 =	simm.s32 $_size__tile_overlayer_lowered;
	s8 =	simm.s32 $_tile_overlayer_lowered  }
0x9d: {  	s23 =	simm.s32 $0x1BFF;
	s22 =	sshll.u32 s8, $0x1;
	s5 =	sadd.s32 s6, s20  }
0x9e: {  	s9 =	simm.s32 $0x0;
	s21 =	sshll.u32 s7, $0x1;
	s7 =	sadd.s32 s22, s5  }
0x9f: {  	[timem:s9], [sflag:s23] =	dma.local [hbm:s7], s21  }
0xa0: {  	_ =	swait.ge [sflag:s23], s21  }
0xa1: {  	s6 =	ssub.s32 $0x0, s21;
	[sflag:s23] =	ssyncset.done $0x0  }
0xa2: {  	[sflag:s23] =	ssyncadd.s32 s6;
	_ =	sdelay $0x1  }
0xa3: {  	s24 =	simm.s32 $0x1B8B  }
0xa4: {  	_ =	swait.ge [sflag:s24], $0x1  }
0xa5: {  	[sflag:s24] =	ssyncset.done $0x0  }
0xa6: {  	s25 =	simm.s32 $0x1B8E;
	[sflag:s24] =	ssyncadd.s32 $0xFFFFFFFF  }
0xa7: {  	s26 =	simm.s32 $execute0_lowered;
	[smem:$0x3FD2] =	sst s25  }
0xa8: {  	s6 =	sshll.u32 s26, $0x1;
	_ =	strace $0x80000046;
	[dreg:$0x1] =	wrdreg $0xFFFFFFFF  }
0xa9: {  	s28 =	simm.s32 $_size_execute0_lowered;
	s5 =	sadd.s32 s5, s6;
	[dreg:$0x0] =	wrdreg $0x0  }
0xaa: {  	s6 =	sshll.u32 s28, $0x1;
	[dreg:$0x2] =	wrdreg s5  }
0xab: {  	[dreg:$0x3] =	wrdreg s6  }
0xac: {  	[dreg:$0x4] =	wrdreg $0xC0  }
0xad: {  	_ =	task [dreg:s9], $0x5FFFF  }
0xae: {  	[dreg:$0x1] =	wrdreg $0xFFFFFFFF  }
0xaf: {  	[dreg:$0x0] =	wrdreg $0x60  }
0xb0: {  	[dreg:$0x2] =	wrdreg s2  }
0xb1: {  	[dreg:$0x3] =	wrdreg s19  }
0xb2: {  	[dreg:$0x4] =	wrdreg s4  }
0xb3: {  	[dreg:$0x5] =	wrdreg $0x9  }
0xb4: {  	_ =	task.clear_ibuf [dreg:s9], $0x6FFFF;
	_ =	strace $0x90000046  }
0xb5: {  	s29 =	simm.s32 $0x9;
	_ =	strace $0x80000048  }
0xb6: {  	_ =	swait.ge [sflag:s29], $0x1  }
0xb7: {  	[sflag:s29] =	ssyncadd.s32 $0xFFFFFFFF  }
0xb8: {  	_ =	strace $0x90000048  }
0xb9: {  	_ =	sfence  }
0xba: {  	s30 =	sld [smem:$0x0];
	_ =	sdelay $0x2  }
0xbb: {  	s31 =	sshll.u32 s1, $0xD;
	s1 =	sshrl.u32 s1, $0x2  }
0xbc: {  	s3 =	sand.u32 $0x4000, s31;
	s1 =	sadd.s32 s1, s30  }
0xbd: {  	s0 =	sor.u32 s3, s0;
	s1 =	sshll.u32 s1, $0x11  }
0xbe: {  	s0 =	sor.u32 s1, s0  }
0xbf: {  	s0 =	sadd.s32 $0x8F2B, s0  }
0xc0: {  	[sflag:s0] =	ssyncadd.remote.s32 $0x1  }
0xc1: {  	_ =	sfence.sel $0xFFFF  }
0xc2: {  	[dreg:$0x0] =	wrdreg $0xFFFFFFFF;
	(pc) =	sbr.abs _section_cstart, $3  }
0xc3: {  	[dreg:$0x1] =	wrdreg $0xFFFFFFFF  }
0xc4: {  	_ =	task.clear_ibuf [dreg:s9], $0x2FFFF;
	_ =	strace $0x9FFFFFFF  }
0xc5: {  	(tm) =	ssettm $0x7FFFFFFF  }
tec
execute0_lowered:
.L_overlay_start_1:
0x0: {  	(tag) =	ssettag $0x1  }
0x1: {  	s1 =	rddreg [dreg:$0x0]  }
0x2: {  	s3 =	rddreg [dreg:$0x1];
	s2 =	srdreg.scid  }
0x3: {  	s4 =	stileid.u32;
	s0 =	rddreg [dreg:$0x2]  }
0x4: {  	s16 =	sand.u32 $0x1, s2;
	s4 =	sshll.u32 s4, $0x1;
	s2 =	simm.s32 $0x0  }
0x5: {  	s15 =	simm.s32 $0x20000;
	s13 =	sor.u32 s16, s4;
	[smem:$0x7FF] =	sst s2  }
0x6: {  	s4 =	sshll.u32 s13, $0x9;
	_ =	strace $0x80000047;
	[dreg:$0x10] =	wrdreg s15  }
0x7: {  	s3 =	sadd.s32 s3, s4;
	s19 =	rddreg [dreg:$0x10]  }
0x8: {  	s5 =	sor.u32 $0x4000, s4;
	s28 =	sadd.s32 s0, s4;
	[dreg:$0x4] =	wrdreg s3  }
0x9: {  	s6 =	sor.u32 $0x8000, s4;
	s25 =	sadd.s32 s1, s5;
	[dreg:$0x7] =	wrdreg s28  }
0xa: {  	s7 =	sor.u32 $0xC000, s4;
	s26 =	sadd.s32 s1, s6;
	[dreg:$0x5] =	wrdreg s25  }
0xb: {  	s29 =	sadd.s32 s1, s7;
	[dreg:$0x6] =	wrdreg s26  }
0xc: {  	s9 =	sor.u32 $0x10000, s4;
	s8 =	sadd.s32 s0, s5;
	[dreg:$0x8] =	wrdreg s29  }
0xd: {  	s10 =	sadd.s32 s1, s9;
	[dreg:$0x9] =	wrdreg s8  }
0xe: {  	s4 =	sor.u32 $0x14000, s4;
	s11 =	sadd.s32 s0, s6;
	[dreg:$0xa] =	wrdreg s10  }
0xf: {  	s12 =	sadd.s32 s1, s4;
	[dreg:$0xb] =	wrdreg s11  }
0x10: {  	s14 =	sadd.s32 s0, s7;
	[dreg:$0xc] =	wrdreg s12  }
0x11: {  	[dreg:$0xd] =	wrdreg s14  }
0x12: {  	s18 =	sadd.s32 s0, s9;
	s17 =	rddreg [dreg:$0x4]  }
0x13: {  	s20 =	sadd.s32 s0, s4;
	[dreg:$0xe] =	wrdreg s18  }
0x14: {  	s3 =	simm.s32 $0x1000;
	[dreg:$0xf] =	wrdreg s20  }
0x15: {  	[tilespmem:s2], [sflag:$0x1] =	stream.strided.gather [hbm4b:s17+s3], $0x8000, s19, s3, $0x38;
	[tilespmem:$0x18000] =	vst v63  }
0x16: {  	s4 =	simm.s32 $0xC3800;
	s5 =	simm.s32 $0x8000;
	s8 =	rddreg [dreg:$0x5]  }
0x17: {  	[tilespmem:s5], [sflag:$0x2] =	stream.strided.gather [hbm4b:s8+s3], $0x8000, s4, s3, $0x38;
	[tilespmem:$0x18000] =	vst v63  }
0x18: {  	s6 =	simm.s32 $0x10000;
	s7 =	simm.s32 $0x1;
	s9 =	rddreg [dreg:$0x6]  }
0x19: {  	[tilespmem:s6], [sflag:$0x3] =	stream.strided.gather [hbm4b:s9+s3], $0x8000, s4, s3, $0x38;
	[tilespmem:$0x18000] =	vst v63  }
0x1a: {  	_ =	swait.ge [sflag:s7], $0x8000  }
0x1b: {  	[sflag:s7] =	ssyncset.done $0x0  }
0x1c: {  	s8 =	simm.s32 $0x4;
	s21 =	rddreg [dreg:$0x7];
	[sflag:s7] =	ssyncadd.s32 $0xFFFF8000  }
0x1d: {  	[hbm4b:s21+s3] =	stream.strided.scatter [tilespmem:s2], [sflag:$0x4], $0x8000, s4, s3, $0x38;
	[tilespmem:$0x18000] =	vst v63  }
0x1e: {  	_ =	swait.ge [sflag:s8], $0x8000  }
0x1f: {  	[sflag:s8] =	ssyncset.done $0x0  }
0x20: {  	s9 =	simm.s32 $0x2;
	s10 =	rddreg [dreg:$0x8];
	[sflag:s8] =	ssyncadd.s32 $0xFFFF8000  }
0x21: {  	[tilespmem:s2], [sflag:$0x1] =	stream.strided.gather [hbm4b:s10+s3], $0x8000, s4, s3, $0x38;
	[tilespmem:$0x18000] =	vst v63  }
0x22: {  	_ =	swait.ge [sflag:s9], $0x8000  }
0x23: {  	[sflag:s9] =	ssyncset.done $0x0  }
0x24: {  	s10 =	simm.s32 $0x5;
	s11 =	rddreg [dreg:$0x9];
	[sflag:s9] =	ssyncadd.s32 $0xFFFF8000  }
0x25: {  	[hbm4b:s11+s3] =	stream.strided.scatter [tilespmem:s5], [sflag:$0x5], $0x8000, s4, s3, $0x38;
	[tilespmem:$0x18000] =	vst v63  }
0x26: {  	_ =	swait.ge [sflag:s10], $0x8000  }
0x27: {  	[sflag:s10] =	ssyncset.done $0x0  }
0x28: {  	s11 =	simm.s32 $0x3;
	s12 =	rddreg [dreg:$0xa];
	[sflag:s10] =	ssyncadd.s32 $0xFFFF8000  }
0x29: {  	[tilespmem:s5], [sflag:$0x2] =	stream.strided.gather [hbm4b:s12+s3], $0x8000, s4, s3, $0x38;
	[tilespmem:$0x18000] =	vst v63  }
0x2a: {  	_ =	swait.ge [sflag:s11], $0x8000  }
0x2b: {  	[sflag:s11] =	ssyncset.done $0x0  }
0x2c: {  	s12 =	simm.s32 $0x6;
	s14 =	rddreg [dreg:$0xb];
	[sflag:s11] =	ssyncadd.s32 $0xFFFF8000  }
0x2d: {  	[hbm4b:s14+s3] =	stream.strided.scatter [tilespmem:s6], [sflag:$0x6], $0x8000, s4, s3, $0x38;
	[tilespmem:$0x18000] =	vst v63  }
0x2e: {  	_ =	swait.ge [sflag:s12], $0x8000  }
0x2f: {  	[sflag:s12] =	ssyncset.done $0x0  }
0x30: {  	s22 =	rddreg [dreg:$0xc];
	[sflag:s12] =	ssyncadd.s32 $0xFFFF8000  }
0x31: {  	[tilespmem:s6], [sflag:$0x3] =	stream.strided.gather [hbm4b:s22+s3], $0x8000, s4, s3, $0x38;
	[tilespmem:$0x18000] =	vst v63  }
0x32: {  	_ =	swait.ge [sflag:s7], $0x8000  }
0x33: {  	[sflag:s7] =	ssyncset.done $0x0  }
0x34: {  	s23 =	rddreg [dreg:$0xd];
	[sflag:s7] =	ssyncadd.s32 $0xFFFF8000  }
0x35: {  	[hbm4b:s23+s3] =	stream.strided.scatter [tilespmem:s2], [sflag:$0x4], $0x8000, s4, s3, $0x38;
	[tilespmem:$0x18000] =	vst v63  }
0x36: {  	_ =	swait.ge [sflag:s9], $0x8000  }
0x37: {  	[sflag:s9] =	ssyncset.done $0x0  }
0x38: {  	s24 =	rddreg [dreg:$0xe];
	[sflag:s9] =	ssyncadd.s32 $0xFFFF8000  }
0x39: {  	[hbm4b:s24+s3] =	stream.strided.scatter [tilespmem:s5], [sflag:$0x5], $0x8000, s4, s3, $0x38;
	[tilespmem:$0x18000] =	vst v63  }
0x3a: {  	_ =	swait.ge [sflag:s11], $0x8000  }
0x3b: {  	[sflag:s11] =	ssyncset.done $0x0  }
0x3c: {  	s25 =	rddreg [dreg:$0xf];
	[sflag:s11] =	ssyncadd.s32 $0xFFFF8000  }
0x3d: {  	[hbm4b:s25+s3] =	stream.strided.scatter [tilespmem:s6], [sflag:$0x6], $0x8000, s4, s3, $0x38;
	[tilespmem:$0x18000] =	vst v63  }
0x3e: {  	_ =	swait.ge [sflag:s8], $0x8000  }
0x3f: {  	[sflag:s8] =	ssyncset.done $0x0  }
0x40: {  	[sflag:s8] =	ssyncadd.s32 $0xFFFF8000  }
0x41: {  	_ =	swait.ge [sflag:s10], $0x8000  }
0x42: {  	[sflag:s10] =	ssyncset.done $0x0  }
0x43: {  	s26 =	sshll.u32 s13, $0x7;
	[sflag:s10] =	ssyncadd.s32 $0xFFFF8000  }
0x44: {  	s15 =	sor.u32 $0x18000, s26;
	_ =	swait.ge [sflag:s12], $0x8000  }
0x45: {  	p0 =	sgt.u32 s13, $0xC;
	s1 =	sadd.s32 s1, s15;
	[sflag:s12] =	ssyncset.done $0x0  }
0x46: {  	s13 =	sadd.s32 @!p0 $0x18700, s1;
	s14 =	simm.s32 @!p0 $0x0;
	[sflag:s12] =	ssyncadd.s32 $0xFFFF8000  }
0x47: {  	[tilespmem:s14], [sflag:$0x1] =	stream.linear.gather @!p0 [hbm4b:s1+s14], $0x400, $0x38;
	[tilespmem:$0x18000] =	vst v63  }
0x48: {  	s30 =	simm.s32 @!p0 $0x1;
	s17 =	simm.s32 @!p0 $0x1000;
	[dreg:$0x11] =	wrdreg s13  }
0x49: {  	[tilespmem:s17], [sflag:$0x1] =	stream.linear.gather @!p0 [hbm4b:s13+s14], $0x400, $0x38;
	[tilespmem:$0x18000] =	vst v63  }
0x4a: {  	s18 =	simm.s32 @!p0 $0x2000;
	[dreg:$0x17] =	wrdreg s1;
	s13 =	sadd.s32 @!p0 $0x30E00, s1  }
0x4b: {  	[tilespmem:s18], [sflag:$0x1] =	stream.linear.gather @!p0 [hbm4b:s13+s14], $0x400, $0x38;
	[tilespmem:$0x18000] =	vst v63  }
0x4c: {  	s19 =	simm.s32 @!p0 $0x3000;
	[dreg:$0x12] =	wrdreg s13;
	s13 =	sadd.s32 @!p0 $0x49500, s1  }
0x4d: {  	[tilespmem:s19], [sflag:$0x1] =	stream.linear.gather @!p0 [hbm4b:s13+s14], $0x400, $0x38;
	[tilespmem:$0x18000] =	vst v63  }
0x4e: {  	s20 =	simm.s32 @!p0 $0x4000;
	[dreg:$0x13] =	wrdreg s13;
	s13 =	sadd.s32 @!p0 $0x61C00, s1  }
0x4f: {  	[tilespmem:s20], [sflag:$0x1] =	stream.linear.gather @!p0 [hbm4b:s13+s14], $0x400, $0x38;
	[tilespmem:$0x18000] =	vst v63  }
0x50: {  	s21 =	simm.s32 @!p0 $0x5000;
	[dreg:$0x14] =	wrdreg s13;
	s13 =	sadd.s32 @!p0 $0x7A300, s1  }
0x51: {  	[tilespmem:s21], [sflag:$0x1] =	stream.linear.gather @!p0 [hbm4b:s13+s14], $0x400, $0x38;
	[tilespmem:$0x18000] =	vst v63  }
0x52: {  	s22 =	simm.s32 @!p0 $0x6000;
	[dreg:$0x15] =	wrdreg s13;
	s13 =	sadd.s32 @!p0 $0x92A00, s1  }
0x53: {  	[tilespmem:s22], [sflag:$0x1] =	stream.linear.gather @!p0 [hbm4b:s13+s14], $0x400, $0x38;
	[tilespmem:$0x18000] =	vst v63  }
0x54: {  	s23 =	simm.s32 @!p0 $0x7000;
	s1 =	sadd.s32 @!p0 $0xAB100, s1;
	[dreg:$0x16] =	wrdreg s13  }
0x55: {  	[tilespmem:s23], [sflag:$0x1] =	stream.linear.gather @!p0 [hbm4b:s1+s14], $0x400, $0x38;
	[tilespmem:$0x18000] =	vst v63  }
0x56: {  	_ =	swait.ge @!p0 [sflag:s30], $0x2000  }
0x57: {  	[sflag:s30] =	ssyncset.done @!p0 $0x0  }
0x58: {  	s31 =	sadd.s32 s0, s15;
	[sflag:s30] =	ssyncadd.s32 @!p0 $0xFFFFE000  }
0x59: {  	[hbm4b:s31+s14] =	stream.linear.scatter @!p0 [tilespmem:s14], [sflag:$0x4], $0x400, $0x38;
	[tilespmem:$0x18000] =	vst v63  }
0x5a: {  	s28 =	ssub.s32 $0x2, s16;
	s24 =	smov.u32 s1;
	s1 =	sadd.s32 @!p0 $0x18700, s31  }
0x5b: {  	[hbm4b:s1+s14] =	stream.linear.scatter @!p0 [tilespmem:s17], [sflag:$0x4], $0x400, $0x38;
	[tilespmem:$0x18000] =	vst v63  }
0x5c: {  	s29 =	sshrl.u32 s28, $0x1;
	s0 =	sadd.s32 @!p0 $0x30E00, s31  }
0x5d: {  	[hbm4b:s0+s14] =	stream.linear.scatter @!p0 [tilespmem:s18], [sflag:$0x4], $0x400, $0x38;
	[tilespmem:$0x18000] =	vst v63  }
0x5e: {  	s13 =	sadd.s32 @!p0 $0x49500, s31;
	s18 =	ssub.s32 s28, s29  }
0x5f: {  	[hbm4b:s13+s14] =	stream.linear.scatter @!p0 [tilespmem:s19], [sflag:$0x4], $0x400, $0x38;
	[tilespmem:$0x18000] =	vst v63  }
0x60: {  	s15 =	sadd.s32 @!p0 $0x61C00, s31;
	s18 =	smax.u32 s18, $0x1  }
0x61: {  	[hbm4b:s15+s14] =	stream.linear.scatter @!p0 [tilespmem:s20], [sflag:$0x4], $0x400, $0x38;
	[tilespmem:$0x18000] =	vst v63  }
0x62: {  	s16 =	sadd.s32 @!p0 $0x7A300, s31;
	s20 =	sadd.s32 $0xFFFFFFFF, s18  }
0x63: {  	[hbm4b:s16+s14] =	stream.linear.scatter @!p0 [tilespmem:s21], [sflag:$0x4], $0x400, $0x38;
	[tilespmem:$0x18000] =	vst v63  }
0x64: {  	s17 =	sadd.s32 @!p0 $0x92A00, s31;
	p1 =	sne.s32 s20, $0x0  }
0x65: {  	[hbm4b:s17+s14] =	stream.linear.scatter @!p0 [tilespmem:s22], [sflag:$0x4], $0x400, $0x38;
	[tilespmem:$0x18000] =	vst v63  }
.Ltmp0:
0x66: {  	_ = 	snop;
	(pc) =	sbr.rel @!p1 .LBB2_2-.Ltmp0, $4  }
0x67: {  	s19 =	sadd.s32 @!p0 $0xAB100, s31;
	s18 =	simm.s32 @!p0 $0x4  }
0x68: {  	[hbm4b:s19+s14] =	stream.linear.scatter @!p0 [tilespmem:s23], [sflag:$0x4], $0x400, $0x38;
	[tilespmem:$0x18000] =	vst v63  }
0x69: {  	_ =	swait.ge @!p0 [sflag:s18], $0x2000  }
0x6a: {  	[sflag:s18] =	ssyncset.done @!p0 $0x0  }
.LBB2_1:
0x6b: {  	s21 =	rddreg [dreg:$0x4]  }
0x6c: {  	[sflag:s18] =	ssyncadd.s32 @!p0 $0xFFFFE000;
	s22 =	rddreg [dreg:$0x10]  }
0x6d: {  	[tilespmem:s2], [sflag:$0x1] =	stream.strided.gather [hbm4b:s21+s3], $0x8000, s22, s3, $0x38;
	[tilespmem:$0x18000] =	vst v63  }
0x6e: {  	s23 =	rddreg [dreg:$0x5]  }
0x6f: {  	[tilespmem:s5], [sflag:$0x2] =	stream.strided.gather [hbm4b:s23+s3], $0x8000, s4, s3, $0x38;
	[tilespmem:$0x18000] =	vst v63  }
0x70: {  	s25 =	rddreg [dreg:$0x6]  }
0x71: {  	[tilespmem:s6], [sflag:$0x3] =	stream.strided.gather [hbm4b:s25+s3], $0x8000, s4, s3, $0x38;
	[tilespmem:$0x18000] =	vst v63  }
0x72: {  	_ =	swait.ge [sflag:s7], $0x8000  }
0x73: {  	[sflag:s7] =	ssyncset.done $0x0  }
0x74: {  	s26 =	rddreg [dreg:$0x7];
	[sflag:s7] =	ssyncadd.s32 $0xFFFF8000  }
0x75: {  	[hbm4b:s26+s3] =	stream.strided.scatter [tilespmem:s2], [sflag:$0x4], $0x8000, s4, s3, $0x38;
	[tilespmem:$0x18000] =	vst v63  }
0x76: {  	_ =	swait.ge [sflag:s8], $0x8000  }
0x77: {  	[sflag:s8] =	ssyncset.done $0x0  }
0x78: {  	s28 =	rddreg [dreg:$0x8];
	[sflag:s8] =	ssyncadd.s32 $0xFFFF8000  }
0x79: {  	[tilespmem:s2], [sflag:$0x1] =	stream.strided.gather [hbm4b:s28+s3], $0x8000, s4, s3, $0x38;
	[tilespmem:$0x18000] =	vst v63  }
0x7a: {  	_ =	swait.ge [sflag:s9], $0x8000  }
0x7b: {  	[sflag:s9] =	ssyncset.done $0x0  }
0x7c: {  	s29 =	rddreg [dreg:$0x9];
	[sflag:s9] =	ssyncadd.s32 $0xFFFF8000  }
0x7d: {  	[hbm4b:s29+s3] =	stream.strided.scatter [tilespmem:s5], [sflag:$0x5], $0x8000, s4, s3, $0x38;
	[tilespmem:$0x18000] =	vst v63  }
0x7e: {  	_ =	swait.ge [sflag:s10], $0x8000  }
0x7f: {  	[sflag:s10] =	ssyncset.done $0x0  }
0x80: {  	s22 =	rddreg [dreg:$0xa];
	[sflag:s10] =	ssyncadd.s32 $0xFFFF8000  }
0x81: {  	[tilespmem:s5], [sflag:$0x2] =	stream.strided.gather [hbm4b:s22+s3], $0x8000, s4, s3, $0x38;
	[tilespmem:$0x18000] =	vst v63  }
0x82: {  	_ =	swait.ge [sflag:s11], $0x8000  }
0x83: {  	[sflag:s11] =	ssyncset.done $0x0  }
0x84: {  	s23 =	rddreg [dreg:$0xb];
	[sflag:s11] =	ssyncadd.s32 $0xFFFF8000  }
0x85: {  	[hbm4b:s23+s3] =	stream.strided.scatter [tilespmem:s6], [sflag:$0x6], $0x8000, s4, s3, $0x38;
	[tilespmem:$0x18000] =	vst v63  }
0x86: {  	_ =	swait.ge [sflag:s12], $0x8000  }
0x87: {  	[sflag:s12] =	ssyncset.done $0x0  }
0x88: {  	s25 =	rddreg [dreg:$0xc];
	[sflag:s12] =	ssyncadd.s32 $0xFFFF8000  }
0x89: {  	[tilespmem:s6], [sflag:$0x3] =	stream.strided.gather [hbm4b:s25+s3], $0x8000, s4, s3, $0x38;
	[tilespmem:$0x18000] =	vst v63  }
0x8a: {  	_ =	swait.ge [sflag:s7], $0x8000  }
0x8b: {  	[sflag:s7] =	ssyncset.done $0x0  }
0x8c: {  	s26 =	rddreg [dreg:$0xd];
	[sflag:s7] =	ssyncadd.s32 $0xFFFF8000  }
0x8d: {  	[hbm4b:s26+s3] =	stream.strided.scatter [tilespmem:s2], [sflag:$0x4], $0x8000, s4, s3, $0x38;
	[tilespmem:$0x18000] =	vst v63  }
0x8e: {  	_ =	swait.ge [sflag:s9], $0x8000  }
0x8f: {  	[sflag:s9] =	ssyncset.done $0x0  }
0x90: {  	s28 =	rddreg [dreg:$0xe];
	[sflag:s9] =	ssyncadd.s32 $0xFFFF8000  }
0x91: {  	[hbm4b:s28+s3] =	stream.strided.scatter [tilespmem:s5], [sflag:$0x5], $0x8000, s4, s3, $0x38;
	[tilespmem:$0x18000] =	vst v63  }
0x92: {  	_ =	swait.ge [sflag:s11], $0x8000  }
0x93: {  	[sflag:s11] =	ssyncset.done $0x0  }
0x94: {  	s29 =	rddreg [dreg:$0xf];
	[sflag:s11] =	ssyncadd.s32 $0xFFFF8000  }
0x95: {  	[hbm4b:s29+s3] =	stream.strided.scatter [tilespmem:s6], [sflag:$0x6], $0x8000, s4, s3, $0x38;
	[tilespmem:$0x18000] =	vst v63  }
0x96: {  	_ =	swait.ge [sflag:s8], $0x8000  }
0x97: {  	[sflag:s8] =	ssyncset.done $0x0  }
0x98: {  	[sflag:s8] =	ssyncadd.s32 $0xFFFF8000  }
0x99: {  	_ =	swait.ge [sflag:s10], $0x8000  }
0x9a: {  	[sflag:s10] =	ssyncset.done $0x0  }
0x9b: {  	[sflag:s10] =	ssyncadd.s32 $0xFFFF8000  }
0x9c: {  	_ =	swait.ge [sflag:s12], $0x8000  }
0x9d: {  	[sflag:s12] =	ssyncset.done $0x0  }
0x9e: {  	s21 =	rddreg [dreg:$0x17];
	[sflag:s12] =	ssyncadd.s32 $0xFFFF8000  }
0x9f: {  	[tilespmem:s14], [sflag:$0x1] =	stream.linear.gather @!p0 [hbm4b:s21+s14], $0x400, $0x38;
	[tilespmem:$0x18000] =	vst v63  }
0xa0: {  	s22 =	simm.s32 @!p0 $0x1000;
	s21 =	rddreg [dreg:$0x11]  }
0xa1: {  	[tilespmem:s22], [sflag:$0x1] =	stream.linear.gather @!p0 [hbm4b:s21+s14], $0x400, $0x38;
	[tilespmem:$0x18000] =	vst v63  }
0xa2: {  	s23 =	simm.s32 @!p0 $0x2000;
	s21 =	rddreg [dreg:$0x12]  }
0xa3: {  	[tilespmem:s23], [sflag:$0x1] =	stream.linear.gather @!p0 [hbm4b:s21+s14], $0x400, $0x38;
	[tilespmem:$0x18000] =	vst v63  }
0xa4: {  	s25 =	simm.s32 @!p0 $0x3000;
	s21 =	rddreg [dreg:$0x13]  }
0xa5: {  	[tilespmem:s25], [sflag:$0x1] =	stream.linear.gather @!p0 [hbm4b:s21+s14], $0x400, $0x38;
	[tilespmem:$0x18000] =	vst v63  }
0xa6: {  	s26 =	simm.s32 @!p0 $0x4000;
	s21 =	rddreg [dreg:$0x14]  }
0xa7: {  	[tilespmem:s26], [sflag:$0x1] =	stream.linear.gather @!p0 [hbm4b:s21+s14], $0x400, $0x38;
	[tilespmem:$0x18000] =	vst v63  }
0xa8: {  	s28 =	simm.s32 @!p0 $0x5000;
	s21 =	rddreg [dreg:$0x15]  }
0xa9: {  	[tilespmem:s28], [sflag:$0x1] =	stream.linear.gather @!p0 [hbm4b:s21+s14], $0x400, $0x38;
	[tilespmem:$0x18000] =	vst v63  }
0xaa: {  	s29 =	simm.s32 @!p0 $0x6000;
	s21 =	rddreg [dreg:$0x16]  }
0xab: {  	[tilespmem:s29], [sflag:$0x1] =	stream.linear.gather @!p0 [hbm4b:s21+s14], $0x400, $0x38;
	[tilespmem:$0x18000] =	vst v63  }
0xac: {  	s21 =	simm.s32 @!p0 $0x7000  }
0xad: {  	[tilespmem:s21], [sflag:$0x1] =	stream.linear.gather @!p0 [hbm4b:s24+s14], $0x400, $0x38;
	[tilespmem:$0x18000] =	vst v63  }
0xae: {  	_ =	swait.ge @!p0 [sflag:s30], $0x2000  }
0xaf: {  	[sflag:s30] =	ssyncset.done @!p0 $0x0  }
0xb0: {  	[sflag:s30] =	ssyncadd.s32 @!p0 $0xFFFFE000  }
0xb1: {  	[hbm4b:s31+s14] =	stream.linear.scatter @!p0 [tilespmem:s14], [sflag:$0x4], $0x400, $0x38;
	[tilespmem:$0x18000] =	vst v63  }
0xb2: {  	_ = 	snop  }
0xb3: {  	[hbm4b:s1+s14] =	stream.linear.scatter @!p0 [tilespmem:s22], [sflag:$0x4], $0x400, $0x38;
	[tilespmem:$0x18000] =	vst v63  }
0xb4: {  	_ = 	snop  }
0xb5: {  	[hbm4b:s0+s14] =	stream.linear.scatter @!p0 [tilespmem:s23], [sflag:$0x4], $0x400, $0x38;
	[tilespmem:$0x18000] =	vst v63  }
0xb6: {  	_ = 	snop  }
0xb7: {  	[hbm4b:s13+s14] =	stream.linear.scatter @!p0 [tilespmem:s25], [sflag:$0x4], $0x400, $0x38;
	[tilespmem:$0x18000] =	vst v63  }
0xb8: {  	_ = 	snop  }
0xb9: {  	[hbm4b:s15+s14] =	stream.linear.scatter @!p0 [tilespmem:s26], [sflag:$0x4], $0x400, $0x38;
	[tilespmem:$0x18000] =	vst v63  }
0xba: {  	s20 =	sadd.s32 $0xFFFFFFFF, s20  }
0xbb: {  	[hbm4b:s16+s14] =	stream.linear.scatter @!p0 [tilespmem:s28], [sflag:$0x4], $0x400, $0x38;
	[tilespmem:$0x18000] =	vst v63  }
0xbc: {  	p1 =	sne.s32 s20, $0x0  }
0xbd: {  	[hbm4b:s17+s14] =	stream.linear.scatter @!p0 [tilespmem:s29], [sflag:$0x4], $0x400, $0x38;
	[tilespmem:$0x18000] =	vst v63  }
.Ltmp1:
0xbe: {  	_ = 	snop;
	(pc) =	sbr.rel @p1 .LBB2_1-.Ltmp1, $4  }
0xbf: {  	_ = 	snop  }
0xc0: {  	[hbm4b:s19+s14] =	stream.linear.scatter @!p0 [tilespmem:s21], [sflag:$0x4], $0x400, $0x38;
	[tilespmem:$0x18000] =	vst v63  }
0xc1: {  	_ =	swait.ge @!p0 [sflag:s18], $0x2000  }
0xc2: {  	[sflag:s18] =	ssyncset.done @!p0 $0x0  }
.LBB2_2:
0xc3: {  	[sflag:s18] =	ssyncadd.s32 @!p0 $0xFFFFE000  }
0xc4: {  	_ =	sfence.sel $0x180000  }
0xc5: {  	[bflag:$0x0] =	sbarrier.arrive $0xFFFF  }
0xc6: {  	_ =	strace $0x90000047  }
0xc7: {  	s0 =	stileid.u32;
	[bflag:$0x2] =	sbarrier.arrive $0xFFFF  }
0xc8: {  	p0 =	sne.s32 s0, $0x0;
	s0 =	rddreg [dreg:$0x3]  }
0xc9: {  	s0 =	sadd.s32 @!p0 $0x100000, s0  }
0xca: {  	[sflag:s0] =	ssyncadd.tile.s32 @!p0 $0x1;
	_ =	shalt  }
.Lfunc_end2:
_tile_overlayer_lowered:
.L_overlay_start_2:
0xcb: {  	(tag) =	ssettag $0x2  }
0xcc: {  	s0 =	rddreg [dreg:$0x0];
	s2 =	stileid.u32  }
0xcd: {  	s1 =	rddreg [dreg:$0x1];
	p0 =	sne.s32 s2, $0x0  }
0xce: {  	s3 =	rddreg [dreg:$0x2];
	[bflag:$0x3] =	sbarrier.arrive $0xFFFF;
	s2 =	simm.s32 @!p0 $0x1C07  }
0xcf: {  	[timem:s3], [sflag:s2] =	dma.local @!p0 [hbm:s0], s1  }
0xd0: {  	s0 =	simm.s32 @!p0 $0x7  }
0xd1: {  	_ =	swait.ge @!p0 [sflag:s0], s1  }
0xd2: {  	s1 =	ssub.s32 @!p0 $0x0, s1;
	[sflag:s0] =	ssyncset.done @!p0 $0x0  }
0xd3: {  	[sflag:s0] =	ssyncadd.s32 @!p0 s1  }
0xd4: {  	[bflag:$0x3] =	sbarrier.arrive $0xFFFF  }
0xd5: {  	_ =	shalt  }

</sc_bundles>
